<compile_context>
chip_gen: v7x
topology: tpu7x:2x2x1
jax: 0.10.2.dev20260603
libtpu: 0.0.44.dev20260713+nightly
codegen_flags: <defaults>
</compile_context>

<pallas_src>
import functools

import jax
import jax.numpy as jnp
from jax import lax
from jax.experimental import pallas as pl
from jax.experimental.pallas import tpu as pltpu
from jax.experimental.pallas import tpu_sc as plsc

EMBED_DIM = 16
NUM_SC_CORES = 2
NUM_SC_SUBCORES = 16
NUM_WORKERS = NUM_SC_CORES * NUM_SC_SUBCORES


def _sc_gather(movie_id, user_id, movie_table, user_table):
    batch = movie_id.shape[0]
    b_per_w = batch // NUM_WORKERS
    mesh = plsc.VectorSubcoreMesh(core_axis_name="c", subcore_axis_name="s")

    @functools.partial(
        pl.kernel,
        mesh=mesh,
        out_type=(
            jax.ShapeDtypeStruct((batch, EMBED_DIM), jnp.float32),
            jax.ShapeDtypeStruct((batch, EMBED_DIM), jnp.float32),
        ),
        scratch_types=[
            pltpu.VMEM((b_per_w,), jnp.int32),
            pltpu.VMEM((b_per_w,), jnp.int32),
            pltpu.VMEM((b_per_w, EMBED_DIM), jnp.float32),
            pltpu.VMEM((b_per_w, EMBED_DIM), jnp.float32),
            pltpu.SemaphoreType.DMA,
            pltpu.SemaphoreType.DMA,
        ],
        compiler_params=pltpu.CompilerParams(use_tc_tiling_on_sc=False),
    )
    def gather_kernel(mt_hbm, ut_hbm, mi_hbm, ui_hbm, mo_hbm, uo_hbm,
                      mi_v, ui_v, mrows_v, urows_v, sem_m, sem_u):
        wid = lax.axis_index("s") * NUM_SC_CORES + lax.axis_index("c")
        base = wid * b_per_w
        pltpu.sync_copy(mi_hbm.at[pl.ds(base, b_per_w)], mi_v)
        pltpu.sync_copy(ui_hbm.at[pl.ds(base, b_per_w)], ui_v)
        cm = pltpu.async_copy(mt_hbm.at[mi_v], mrows_v, sem_m)
        cu = pltpu.async_copy(ut_hbm.at[ui_v], urows_v, sem_u)
        cm.wait()
        cu.wait()
        pltpu.sync_copy(mrows_v, mo_hbm.at[pl.ds(base, b_per_w)])
        pltpu.sync_copy(urows_v, uo_hbm.at[pl.ds(base, b_per_w)])

    return gather_kernel(movie_table, user_table, movie_id, user_id)


def _mlp_body(me_ref, ue_ref, w0m_ref, w0u_ref, b0_ref, w1_ref, b1_ref,
              wo_ref, bo_ref, o_ref):
    h = (jnp.dot(me_ref[...], w0m_ref[...], preferred_element_type=jnp.float32)
         + jnp.dot(ue_ref[...], w0u_ref[...], preferred_element_type=jnp.float32)
         + b0_ref[...])
    h = jnp.maximum(h, 0.0)
    h = jnp.dot(h, w1_ref[...], preferred_element_type=jnp.float32) + b1_ref[...]
    h = jnp.maximum(h, 0.0)
    o = jnp.dot(h, wo_ref[...], preferred_element_type=jnp.float32) + bo_ref[...]
    o_ref[...] = jax.nn.sigmoid(o)


def kernel(movie_id, user_id, movie_table, user_table, W0, b0, W1, b1, Wo, bo):
    batch = movie_id.shape[0]
    movie_id = movie_id.astype(jnp.int32)
    user_id = user_id.astype(jnp.int32)
    me, ue = _sc_gather(movie_id, user_id, movie_table, user_table)
    w0m = W0[:, :EMBED_DIM].T
    w0u = W0[:, EMBED_DIM:].T
    out = pl.pallas_call(
        _mlp_body,
        out_shape=jax.ShapeDtypeStruct((batch, 1), jnp.float32),
    )(me, ue, w0m, w0u, b0[None, :], W1.T, b1[None, :], Wo.T, bo[None, :])
    return out

# --- scband reference (transcript-rebuilt; emitter-appended) ---
"""Pipeline reference for scband-neural-cfmodel-31396210934205 (READ-ONLY COPY).

The authoritative reference and input builder live on the scoring server;
editing this copy changes nothing except your own understanding.
"""

import jax, jax.numpy as jnp
import numpy as np

NUM_MOVIES = 100000
NUM_USERS = 1000000
EMBED_DIM = 16
BATCH = 16384


def setup_inputs(seed: int = 0) -> dict:
    key = jax.random.key(seed)
    ks = jax.random.split(key, 12)
    movie_id = jax.random.randint(ks[0], (BATCH,), 0, NUM_MOVIES)
    user_id = jax.random.randint(ks[1], (BATCH,), 0, NUM_USERS)
    movie_table = jax.random.normal(ks[2], (NUM_MOVIES, EMBED_DIM), dtype=jnp.float32)
    user_table = jax.random.normal(ks[3], (NUM_USERS, EMBED_DIM), dtype=jnp.float32)
    # fc layers: Linear(2*embed_dim=32 -> 32) twice, then output Linear(32 -> 1)
    W0 = jax.random.normal(ks[4], (32, 2 * EMBED_DIM), dtype=jnp.float32) * 0.1
    b0 = jnp.zeros((32,), dtype=jnp.float32)
    W1 = jax.random.normal(ks[5], (32, 2 * EMBED_DIM), dtype=jnp.float32) * 0.1
    b1 = jnp.zeros((32,), dtype=jnp.float32)
    Wo = jax.random.normal(ks[6], (1, 32), dtype=jnp.float32) * 0.1
    bo = jnp.zeros((1,), dtype=jnp.float32)
    return {
        "movie_id": movie_id,
        "user_id": user_id,
        "movie_table": movie_table,
        "user_table": user_table,
        "W0": W0, "b0": b0,
        "W1": W1, "b1": b1,
        "Wo": Wo, "bo": bo,
    }


def reference(movie_id, user_id, movie_table, user_table, W0, b0, W1, b1, Wo, bo):
    movie_embed = jnp.take(movie_table, movie_id, axis=0)
    user_embed = jnp.take(user_table, user_id, axis=0)
    x = jnp.concatenate([movie_embed, user_embed], axis=1)
    x = jax.nn.relu(x @ W0.T + b0)
    x = jax.nn.relu(x @ W1.T + b1)
    x = jax.nn.sigmoid(x @ Wo.T + bo)
    return x

if __name__ == "__main__":
    import jax
    _d = setup_inputs()
    print(jax.jit(kernel)(*tuple(_d.values())))

</pallas_src>

<mosaic_0001>
#map = affine_map<(d0, d1) -> (0, 0)>
#map1 = affine_map<(d0, d1) -> (0)>
module attributes {stable_mosaic.version = 14 : i64} {
  func.func @gather_kernel(%arg0: i32, %arg1: i32, %arg2: memref<100000x16xf32, #tpu.memory_space<hbm>>, %arg3: memref<1000000x16xf32, #tpu.memory_space<hbm>>, %arg4: memref<16384xi32, #tpu.memory_space<hbm>>, %arg5: memref<16384xi32, #tpu.memory_space<hbm>>, %arg6: memref<16384x16xf32, #tpu.memory_space<hbm>>, %arg7: memref<16384x16xf32, #tpu.memory_space<hbm>>, %arg8: memref<512xi32, #tpu.memory_space<vmem>>, %arg9: memref<512xi32, #tpu.memory_space<vmem>>, %arg10: memref<512x16xf32, #tpu.memory_space<vmem>>, %arg11: memref<512x16xf32, #tpu.memory_space<vmem>>, %arg12: memref<!tpu.dma_semaphore, #tpu.memory_space<semaphore_mem>>, %arg13: memref<!tpu.dma_semaphore, #tpu.memory_space<semaphore_mem>>) attributes {dimension_semantics = [#tpu.dimension_semantics<core_parallel>, #tpu.dimension_semantics<subcore_parallel>], iteration_bounds = array<i64: 2, 16>, scalar_prefetch = 0 : i64, scratch_operands = 6 : i64, tpu.core_type = #tpu.core_type<sc_vector_subcore>, window_params = [{transform_indices = #map}, {transform_indices = #map}, {transform_indices = #map1}, {transform_indices = #map1}, {transform_indices = #map}, {transform_indices = #map}]} {
    %mul3A = arith.constant 2 : i32
    %mul3A_0 = arith.muli %arg1, %mul3A : i32
    %add3A = arith.addi %mul3A_0, %arg0 : i32
    %mul3A_1 = arith.constant 512 : i32
    %mul3A_2 = arith.muli %add3A, %mul3A_1 : i32
    "tpu.region"() ({
      %run_scoped3A = tpu.sem_alloc : memref<!tpu.dma_semaphore, #tpu.memory_space<semaphore_mem>>
      %dma_start3A_13 = tpu.memref_slice %arg4[%mul3A_2] : memref<16384xi32, #tpu.memory_space<hbm>> -> memref<512xi32, #tpu.memory_space<hbm>>
      %dma_start3A_14 = tpu.memref_slice %arg4[%mul3A_2] : memref<16384xi32, #tpu.memory_space<hbm>> -> memref<512xi32, #tpu.memory_space<hbm>>
      tpu.enqueue_dma source(%dma_start3A_14 : memref<512xi32, #tpu.memory_space<hbm>>) target(%arg8 : memref<512xi32, #tpu.memory_space<vmem>>) target_semaphore(%run_scoped3A : memref<!tpu.dma_semaphore, #tpu.memory_space<semaphore_mem>>)
      %dma_wait3A_15 = tpu.memref_slice %arg4[%mul3A_2] : memref<16384xi32, #tpu.memory_space<hbm>> -> memref<512xi32, #tpu.memory_space<hbm>>
      %dma_wait3A_16 = tpu.memref_slice %arg4[%mul3A_2] : memref<16384xi32, #tpu.memory_space<hbm>> -> memref<512xi32, #tpu.memory_space<hbm>>
      tpu.wait_dma2 semaphore(%run_scoped3A : memref<!tpu.dma_semaphore, #tpu.memory_space<semaphore_mem>>) src(%dma_wait3A_16 : memref<512xi32, #tpu.memory_space<hbm>>) dst(%arg8 : memref<512xi32, #tpu.memory_space<vmem>>)
      tpu.yield
    }) : () -> ()
    "tpu.region"() ({
      %run_scoped3A = tpu.sem_alloc : memref<!tpu.dma_semaphore, #tpu.memory_space<semaphore_mem>>
      %dma_start3A_13 = tpu.memref_slice %arg5[%mul3A_2] : memref<16384xi32, #tpu.memory_space<hbm>> -> memref<512xi32, #tpu.memory_space<hbm>>
      %dma_start3A_14 = tpu.memref_slice %arg5[%mul3A_2] : memref<16384xi32, #tpu.memory_space<hbm>> -> memref<512xi32, #tpu.memory_space<hbm>>
      tpu.enqueue_dma source(%dma_start3A_14 : memref<512xi32, #tpu.memory_space<hbm>>) target(%arg9 : memref<512xi32, #tpu.memory_space<vmem>>) target_semaphore(%run_scoped3A : memref<!tpu.dma_semaphore, #tpu.memory_space<semaphore_mem>>)
      %dma_wait3A_15 = tpu.memref_slice %arg5[%mul3A_2] : memref<16384xi32, #tpu.memory_space<hbm>> -> memref<512xi32, #tpu.memory_space<hbm>>
      %dma_wait3A_16 = tpu.memref_slice %arg5[%mul3A_2] : memref<16384xi32, #tpu.memory_space<hbm>> -> memref<512xi32, #tpu.memory_space<hbm>>
      tpu.wait_dma2 semaphore(%run_scoped3A : memref<!tpu.dma_semaphore, #tpu.memory_space<semaphore_mem>>) src(%dma_wait3A_16 : memref<512xi32, #tpu.memory_space<hbm>>) dst(%arg9 : memref<512xi32, #tpu.memory_space<vmem>>)
      tpu.yield
    }) : () -> ()
    %dma_start3A = arith.constant 0 : i32
    %dma_start3A_3 = arith.constant 0 : i32
    %dma_start3A_4 = tpu.memref_slice %arg2[%dma_start3A, %dma_start3A_3] : memref<100000x16xf32, #tpu.memory_space<hbm>> -> memref<100000x16xf32, #tpu.memory_space<hbm>>
    tpu.enqueue_indirect_dma source(%dma_start3A_4 : memref<100000x16xf32, #tpu.memory_space<hbm>>) target(%arg10 : memref<512x16xf32, #tpu.memory_space<vmem>>) offsets(%arg8 : memref<512xi32, #tpu.memory_space<vmem>>) semaphore(%arg12 : memref<!tpu.dma_semaphore, #tpu.memory_space<semaphore_mem>>)
    %dma_start3A_5 = arith.constant 0 : i32
    %dma_start3A_6 = arith.constant 0 : i32
    %dma_start3A_7 = tpu.memref_slice %arg3[%dma_start3A_5, %dma_start3A_6] : memref<1000000x16xf32, #tpu.memory_space<hbm>> -> memref<1000000x16xf32, #tpu.memory_space<hbm>>
    tpu.enqueue_indirect_dma source(%dma_start3A_7 : memref<1000000x16xf32, #tpu.memory_space<hbm>>) target(%arg11 : memref<512x16xf32, #tpu.memory_space<vmem>>) offsets(%arg9 : memref<512xi32, #tpu.memory_space<vmem>>) semaphore(%arg13 : memref<!tpu.dma_semaphore, #tpu.memory_space<semaphore_mem>>)
    %dma_wait3A = arith.constant 0 : i32
    %dma_wait3A_8 = arith.constant 0 : i32
    %dma_wait3A_9 = tpu.memref_slice %arg2[%dma_wait3A, %dma_wait3A_8] : memref<100000x16xf32, #tpu.memory_space<hbm>> -> memref<100000x16xf32, #tpu.memory_space<hbm>>
    tpu.wait_indirect_dma semaphore(%arg12 : memref<!tpu.dma_semaphore, #tpu.memory_space<semaphore_mem>>) src(%dma_wait3A_9 : memref<100000x16xf32, #tpu.memory_space<hbm>>) dst(%arg10 : memref<512x16xf32, #tpu.memory_space<vmem>>)
    %dma_wait3A_10 = arith.constant 0 : i32
    %dma_wait3A_11 = arith.constant 0 : i32
    %dma_wait3A_12 = tpu.memref_slice %arg3[%dma_wait3A_10, %dma_wait3A_11] : memref<1000000x16xf32, #tpu.memory_space<hbm>> -> memref<1000000x16xf32, #tpu.memory_space<hbm>>
    tpu.wait_indirect_dma semaphore(%arg13 : memref<!tpu.dma_semaphore, #tpu.memory_space<semaphore_mem>>) src(%dma_wait3A_12 : memref<1000000x16xf32, #tpu.memory_space<hbm>>) dst(%arg11 : memref<512x16xf32, #tpu.memory_space<vmem>>)
    "tpu.region"() ({
      %run_scoped3A = tpu.sem_alloc : memref<!tpu.dma_semaphore, #tpu.memory_space<semaphore_mem>>
      %dma_start3A_13 = arith.constant 0 : i32
      %dma_start3A_14 = tpu.memref_slice %arg6[%mul3A_2, %dma_start3A_13] : memref<16384x16xf32, #tpu.memory_space<hbm>> -> memref<512x16xf32, #tpu.memory_space<hbm>>
      %dma_start3A_15 = arith.constant 0 : i32
      %dma_start3A_16 = tpu.memref_slice %arg6[%mul3A_2, %dma_start3A_15] : memref<16384x16xf32, #tpu.memory_space<hbm>> -> memref<512x16xf32, #tpu.memory_space<hbm>>
      tpu.enqueue_dma source(%arg10 : memref<512x16xf32, #tpu.memory_space<vmem>>) target(%dma_start3A_16 : memref<512x16xf32, #tpu.memory_space<hbm>>) target_semaphore(%run_scoped3A : memref<!tpu.dma_semaphore, #tpu.memory_space<semaphore_mem>>)
      %dma_wait3A_17 = arith.constant 0 : i32
      %dma_wait3A_18 = tpu.memref_slice %arg6[%mul3A_2, %dma_wait3A_17] : memref<16384x16xf32, #tpu.memory_space<hbm>> -> memref<512x16xf32, #tpu.memory_space<hbm>>
      %dma_wait3A_19 = arith.constant 0 : i32
      %dma_wait3A_20 = tpu.memref_slice %arg6[%mul3A_2, %dma_wait3A_19] : memref<16384x16xf32, #tpu.memory_space<hbm>> -> memref<512x16xf32, #tpu.memory_space<hbm>>
      tpu.wait_dma2 semaphore(%run_scoped3A : memref<!tpu.dma_semaphore, #tpu.memory_space<semaphore_mem>>) src(%arg10 : memref<512x16xf32, #tpu.memory_space<vmem>>) dst(%dma_wait3A_20 : memref<512x16xf32, #tpu.memory_space<hbm>>)
      tpu.yield
    }) : () -> ()
    "tpu.region"() ({
      %run_scoped3A = tpu.sem_alloc : memref<!tpu.dma_semaphore, #tpu.memory_space<semaphore_mem>>
      %dma_start3A_13 = arith.constant 0 : i32
      %dma_start3A_14 = tpu.memref_slice %arg7[%mul3A_2, %dma_start3A_13] : memref<16384x16xf32, #tpu.memory_space<hbm>> -> memref<512x16xf32, #tpu.memory_space<hbm>>
      %dma_start3A_15 = arith.constant 0 : i32
      %dma_start3A_16 = tpu.memref_slice %arg7[%mul3A_2, %dma_start3A_15] : memref<16384x16xf32, #tpu.memory_space<hbm>> -> memref<512x16xf32, #tpu.memory_space<hbm>>
      tpu.enqueue_dma source(%arg11 : memref<512x16xf32, #tpu.memory_space<vmem>>) target(%dma_start3A_16 : memref<512x16xf32, #tpu.memory_space<hbm>>) target_semaphore(%run_scoped3A : memref<!tpu.dma_semaphore, #tpu.memory_space<semaphore_mem>>)
      %dma_wait3A_17 = arith.constant 0 : i32
      %dma_wait3A_18 = tpu.memref_slice %arg7[%mul3A_2, %dma_wait3A_17] : memref<16384x16xf32, #tpu.memory_space<hbm>> -> memref<512x16xf32, #tpu.memory_space<hbm>>
      %dma_wait3A_19 = arith.constant 0 : i32
      %dma_wait3A_20 = tpu.memref_slice %arg7[%mul3A_2, %dma_wait3A_19] : memref<16384x16xf32, #tpu.memory_space<hbm>> -> memref<512x16xf32, #tpu.memory_space<hbm>>
      tpu.wait_dma2 semaphore(%run_scoped3A : memref<!tpu.dma_semaphore, #tpu.memory_space<semaphore_mem>>) src(%arg11 : memref<512x16xf32, #tpu.memory_space<vmem>>) dst(%dma_wait3A_20 : memref<512x16xf32, #tpu.memory_space<hbm>>)
      tpu.yield
    }) : () -> ()
    return
  }
}

module attributes {stable_mosaic.version = 14 : i64} {
  func.func @_mlp_body(%arg0: memref<16384x16xf32, #tpu.memory_space<vmem>>, %arg1: memref<16384x16xf32, #tpu.memory_space<vmem>>, %arg2: memref<16x32xf32, #tpu.memory_space<vmem>>, %arg3: memref<16x32xf32, #tpu.memory_space<vmem>>, %arg4: memref<1x32xf32, #tpu.memory_space<vmem>>, %arg5: memref<32x32xf32, #tpu.memory_space<vmem>>, %arg6: memref<1x32xf32, #tpu.memory_space<vmem>>, %arg7: memref<32x1xf32, #tpu.memory_space<vmem>>, %arg8: memref<1x1xf32, #tpu.memory_space<vmem>>, %arg9: memref<16384x1xf32, #tpu.memory_space<vmem>>) attributes {dimension_semantics = [], scalar_prefetch = 0 : i64, scratch_operands = 0 : i64, tpu.core_type = #tpu.core_type<tc>} {
    %get3A = arith.constant 0 : index
    %get3A_0 = arith.constant 0 : index
    %get3A_1 = vector.load %arg0[%get3A, %get3A_0] : memref<16384x16xf32, #tpu.memory_space<vmem>>, vector<16384x16xf32>
    %get3A_2 = arith.constant 0 : index
    %get3A_3 = arith.constant 0 : index
    %get3A_4 = vector.load %arg2[%get3A_2, %get3A_3] : memref<16x32xf32, #tpu.memory_space<vmem>>, vector<16x32xf32>
    %dot_general3A = arith.constant dense<0.000000e+00> : vector<16384x32xf32>
    %dot_general3A_5 = tpu.matmul %get3A_1, %get3A_4, %dot_general3A {dimension_numbers = #tpu.dot_dimension_numbers<[1], [0], [0], [1], [0, 0, 1, 1], [], []>, transpose_lhs_hint = false} : vector<16384x16xf32>, vector<16x32xf32>, vector<16384x32xf32> -> vector<16384x32xf32>
    %get3A_6 = arith.constant 0 : index
    %get3A_7 = arith.constant 0 : index
    %get3A_8 = vector.load %arg1[%get3A_6, %get3A_7] : memref<16384x16xf32, #tpu.memory_space<vmem>>, vector<16384x16xf32>
    %get3A_9 = arith.constant 0 : index
    %get3A_10 = arith.constant 0 : index
    %get3A_11 = vector.load %arg3[%get3A_9, %get3A_10] : memref<16x32xf32, #tpu.memory_space<vmem>>, vector<16x32xf32>
    %dot_general3A_12 = arith.constant dense<0.000000e+00> : vector<16384x32xf32>
    %dot_general3A_13 = tpu.matmul %get3A_8, %get3A_11, %dot_general3A_12 {dimension_numbers = #tpu.dot_dimension_numbers<[1], [0], [0], [1], [0, 0, 1, 1], [], []>, transpose_lhs_hint = false} : vector<16384x16xf32>, vector<16x32xf32>, vector<16384x32xf32> -> vector<16384x32xf32>
    %add3A = arith.addf %dot_general3A_5, %dot_general3A_13 : vector<16384x32xf32>
    %get3A_14 = arith.constant 0 : index
    %get3A_15 = arith.constant 0 : index
    %get3A_16 = vector.load %arg4[%get3A_14, %get3A_15] : memref<1x32xf32, #tpu.memory_space<vmem>>, vector<1x32xf32>
    %add3A_17 = vector.broadcast %get3A_16 : vector<1x32xf32> to vector<16384x32xf32>
    %add3A_18 = arith.addf %add3A, %add3A_17 : vector<16384x32xf32>
    %max3A = arith.constant 0.000000e+00 : f32
    %max3A_19 = vector.broadcast %max3A : f32 to vector<16384x32xf32>
    %max3A_20 = arith.maximumf %add3A_18, %max3A_19 : vector<16384x32xf32>
    %get3A_21 = arith.constant 0 : index
    %get3A_22 = arith.constant 0 : index
    %get3A_23 = vector.load %arg5[%get3A_21, %get3A_22] : memref<32x32xf32, #tpu.memory_space<vmem>>, vector<32x32xf32>
    %dot_general3A_24 = arith.constant dense<0.000000e+00> : vector<16384x32xf32>
    %dot_general3A_25 = tpu.matmul %max3A_20, %get3A_23, %dot_general3A_24 {dimension_numbers = #tpu.dot_dimension_numbers<[1], [0], [0], [1], [0, 0, 1, 1], [], []>, transpose_lhs_hint = false} : vector<16384x32xf32>, vector<32x32xf32>, vector<16384x32xf32> -> vector<16384x32xf32>
    %get3A_26 = arith.constant 0 : index
    %get3A_27 = arith.constant 0 : index
    %get3A_28 = vector.load %arg6[%get3A_26, %get3A_27] : memref<1x32xf32, #tpu.memory_space<vmem>>, vector<1x32xf32>
    %add3A_29 = vector.broadcast %get3A_28 : vector<1x32xf32> to vector<16384x32xf32>
    %add3A_30 = arith.addf %dot_general3A_25, %add3A_29 : vector<16384x32xf32>
    %max3A_31 = arith.constant 0.000000e+00 : f32
    %max3A_32 = vector.broadcast %max3A_31 : f32 to vector<16384x32xf32>
    %max3A_33 = arith.maximumf %add3A_30, %max3A_32 : vector<16384x32xf32>
    %get3A_34 = arith.constant 0 : index
    %get3A_35 = arith.constant 0 : index
    %get3A_36 = vector.load %arg7[%get3A_34, %get3A_35] : memref<32x1xf32, #tpu.memory_space<vmem>>, vector<32x1xf32>
    %dot_general3A_37 = arith.constant dense<0.000000e+00> : vector<16384x1xf32>
    %dot_general3A_38 = tpu.matmul %max3A_33, %get3A_36, %dot_general3A_37 {dimension_numbers = #tpu.dot_dimension_numbers<[1], [0], [0], [1], [0, 0, 1, 1], [], []>, transpose_lhs_hint = false} : vector<16384x32xf32>, vector<32x1xf32>, vector<16384x1xf32> -> vector<16384x1xf32>
    %get3A_39 = arith.constant 0 : index
    %get3A_40 = arith.constant 0 : index
    %get3A_41 = vector.load %arg8[%get3A_39, %get3A_40] : memref<1x1xf32, #tpu.memory_space<vmem>>, vector<1x1xf32>
    %add3A_42 = vector.broadcast %get3A_41 : vector<1x1xf32> to vector<16384x1xf32>
    %add3A_43 = arith.addf %dot_general3A_38, %add3A_42 : vector<16384x1xf32>
    %logistic3A = arith.negf %add3A_43 : vector<16384x1xf32>
    %logistic3A_44 = math.exp %logistic3A : vector<16384x1xf32>
    %logistic3A_45 = arith.constant 1.000000e+00 : f32
    %logistic3A_46 = vector.broadcast %logistic3A_45 : f32 to vector<16384x1xf32>
    %logistic3A_47 = arith.addf %logistic3A_46, %logistic3A_44 : vector<16384x1xf32>
    %logistic3A_48 = arith.divf %logistic3A_46, %logistic3A_47 : vector<16384x1xf32>
    %swap3A = arith.constant 0 : index
    %swap3A_49 = arith.constant 0 : index
    %swap3A_50 = vector.load %arg9[%swap3A, %swap3A_49] : memref<16384x1xf32, #tpu.memory_space<vmem>>, vector<16384x1xf32>
    tpu.vector_store %arg9[%swap3A, %swap3A_49], %logistic3A_48 {strides = array<i32>} : memref<16384x1xf32, #tpu.memory_space<vmem>>, vector<16384x1xf32>,
    return
  }
}

</mosaic_0001>

<sc_bundles>
// kernel: kernel.4.cloned.1.call-start
scs
__scs_entry_jumppad:
0x0: {  	(pc) =	sbr.rel $0x88, $3  }
0x1: {  	(tag) =	ssettag $0x0;
	lr =	simm.s32 $0x1  }
0x2: {  	[smem:$0x3F97] =	sst lr;
	_ =	strace $0xD0000000  }
0x3: {  	_ = 	snop  }
0x4: {  	_ = 	snop  }
0x5: {  	_ = 	snop  }
0x6: {  	_ = 	snop  }
0x7: {  	_ = 	snop  }
__scs_overlays_trampoline_lowered:
0x8: {  	[smem:$0x3FA6] =	sst s0  }
0x9: {  	[smem:$0x3FA7] =	sst s1  }
0xa: {  	[smem:$0x3FA8] =	sst s2  }
0xb: {  	[smem:$0x3FA9] =	sst s3  }
0xc: {  	[smem:$0x3FAA] =	sst s4  }
0xd: {  	[smem:$0x3FAB] =	sst s5  }
0xe: {  	[smem:$0x3FAC] =	sst s6  }
0xf: {  	[smem:$0x3FAD] =	sst s7  }
0x10: {  	[smem:$0x3FAE] =	sst s8  }
0x11: {  	[smem:$0x3FAF] =	sst s9;
	s0 =	simm.s32 @!p0 $0x0  }
0x12: {  	s1 =	sld [smem:$0x3F95];
	s0 =	simm.s32 @p0 $0x1  }
0x13: {  	[smem:$0x3FB0] =	sst s0;
	s0 =	simm.s32 @!p1 $0x0  }
0x14: {  	s2 =	sld [smem:$0x3F94];
	s0 =	simm.s32 @p1 $0x1  }
0x15: {  	[smem:$0x3FB1] =	sst s0;
	s0 =	simm.s32 @!p2 $0x0  }
0x16: {  	s3 =	sld [smem:$0x3FDB];
	s0 =	simm.s32 @p2 $0x1  }
0x17: {  	s4 =	simm.s32 $0x1BF5;
	[smem:$0x3FB3] =	sst s0  }
0x18: {  	s0 =	sld [smem:$0x3F96];
	_ =	swait.ge [sflag:s4], $0x0  }
0x19: {  	s7 =	sld [smem:$0x3F97]  }
0x1a: {  	s8 =	sadd.s32 $0xFFFFE003, lr  }
0x1b: {  	s9 =	sadd.s32 $0xFFFFFEF7, lr;
	s5 =	simm.s32 $0xFFFFFFFF;
	p2 =	slt.u32 s8, $0xFFFFF086  }
0x1c: {  	p1 =	slt.u32 s9, $0xF7A;
	s5 =	simm.s32 @!p2 $0x0  }
0x1d: {  	s5 =	simm.s32 @p1 $0x1;
	p0 =	seq.s32 s7, s2  }
0x1e: {  	s7 =	smul.u32 @!p0 $0xF7A, s2;
	p2 =	seq.s32 @!p0 s5, $0x0  }
0x1f: {  	s9 =	smul.u32 $0xF7A, s1;
	s8 =	simm.s32 @!p0 $0x1BF5;
	p2 =	por !p2, p0  }
0x20: {  	[sflag:s8] =	ssyncset.s32 @!p0 $0xFFFFF086;
	s6 =	sadd.s32 @!p0 s3, s7;
	s7 =	simm.s32 @!p0 $0x108  }
0x21: {  	s3 =	sadd.s32 s3, s9;
	s6 =	sadd.s32 @!p0 $0x88, s6;
	s7 =	simm.s32 @p2 $0x1082  }
0x22: {  	[simem:s7], [sflag:s8] =	dma.local @!p0 [hbm:s6], $0xF7A  }
0x23: {  	s9 =	sor.u32 $0xD0000000, s2;
	s6 =	simm.s32 $0x108;
	_ =	swait.ge @!p0 [sflag:s8], $0x0  }
0x24: {  	s3 =	sadd.s32 $0x88, s3;
	s6 =	simm.s32 @!p1 $0x1082;
	[sflag:s4] =	ssyncset.s32 $0xFFFFF086  }
0x25: {  	[simem:s6], [sflag:s4] =	dma.local [hbm:s3], $0xF7A  }
0x26: {  	[smem:$0x3F97] =	sst s1;
	(tag) =	ssettag s2;
	_ =	strace s9  }
0x27: {  	s1 =	sld [smem:$0x3FA7]  }
0x28: {  	s2 =	sld [smem:$0x3FA8]  }
0x29: {  	s4 =	sld [smem:$0x3FAA]  }
0x2a: {  	p0 =	seq.s32 s5, $0x0;
	s5 =	sld [smem:$0x3FAB]  }
0x2b: {  	s6 =	sld [smem:$0x3FAC]  }
0x2c: {  	s7 =	sld [smem:$0x3FAD]  }
0x2d: {  	s3 =	simm.s32 $0x108;
	s8 =	sld [smem:$0x3FAE]  }
0x2e: {  	s3 =	simm.s32 @!p0 $0x1082;
	s9 =	sld [smem:$0x3FAF]  }
0x2f: {  	lr =	sadd.s32 s0, s3;
	s0 =	sld [smem:$0x3FA6]  }
0x30: {  	s3 =	sld [smem:$0x3FA9]  }
0x31: {  	[smem:$0x3FB2] =	sst s10  }
0x32: {  	s10 =	sld [smem:$0x3FB0];
	_ =	sdelay $0x3  }
0x33: {  	p0 =	seq.s32 s10, $0x1;
	s10 =	sld [smem:$0x3FB2];
	_ =	sdelay $0x3  }
0x34: {  	[smem:$0x3FB2] =	sst s10  }
0x35: {  	s10 =	sld [smem:$0x3FB1];
	_ =	sdelay $0x3  }
0x36: {  	p1 =	seq.s32 s10, $0x1;
	s10 =	sld [smem:$0x3FB2];
	_ =	sdelay $0x3  }
0x37: {  	[smem:$0x3FB2] =	sst s10  }
0x38: {  	s10 =	sld [smem:$0x3FB3]  }
0x39: {  	_ = 	snop;
	(pc) =	sbr.ind lr, $3  }
0x3a: {  	_ = 	snop  }
0x3b: {  	_ = 	snop  }
0x3c: {  	p2 =	seq.s32 s10, $0x1;
	s10 =	sld [smem:$0x3FB2]  }
0x3d: {  	_ =	shalt  }
0x3e: {  	_ =	shalt  }
0x3f: {  	_ =	shalt  }
0x40: {  	_ =	shalt  }
0x41: {  	_ =	shalt  }
0x42: {  	_ =	shalt  }
0x43: {  	_ =	shalt  }
0x44: {  	_ =	shalt  }
0x45: {  	_ =	shalt  }
0x46: {  	_ =	shalt  }
0x47: {  	_ =	shalt  }
0x48: {  	_ =	shalt  }
0x49: {  	_ =	shalt  }
0x4a: {  	_ =	shalt  }
0x4b: {  	_ =	shalt  }
0x4c: {  	_ =	shalt  }
0x4d: {  	_ =	shalt  }
0x4e: {  	_ =	shalt  }
0x4f: {  	_ =	shalt  }
0x50: {  	_ =	shalt  }
0x51: {  	_ =	shalt  }
0x52: {  	_ =	shalt  }
0x53: {  	_ =	shalt  }
0x54: {  	_ =	shalt  }
0x55: {  	_ =	shalt  }
0x56: {  	_ =	shalt  }
0x57: {  	_ =	shalt  }
0x58: {  	_ =	shalt  }
0x59: {  	_ =	shalt  }
0x5a: {  	_ =	shalt  }
0x5b: {  	_ =	shalt  }
0x5c: {  	_ =	shalt  }
0x5d: {  	_ =	shalt  }
0x5e: {  	_ =	shalt  }
0x5f: {  	_ =	shalt  }
0x60: {  	_ =	shalt  }
0x61: {  	_ =	shalt  }
0x62: {  	_ =	shalt  }
0x63: {  	_ =	shalt  }
0x64: {  	_ =	shalt  }
0x65: {  	_ =	shalt  }
0x66: {  	_ =	shalt  }
0x67: {  	_ =	shalt  }
0x68: {  	_ =	shalt  }
0x69: {  	_ =	shalt  }
0x6a: {  	_ =	shalt  }
0x6b: {  	_ =	shalt  }
0x6c: {  	_ =	shalt  }
0x6d: {  	_ =	shalt  }
0x6e: {  	_ =	shalt  }
0x6f: {  	_ =	shalt  }
0x70: {  	_ =	shalt  }
0x71: {  	_ =	shalt  }
0x72: {  	_ =	shalt  }
0x73: {  	_ =	shalt  }
0x74: {  	_ =	shalt  }
0x75: {  	_ =	shalt  }
0x76: {  	_ =	shalt  }
0x77: {  	_ =	shalt  }
0x78: {  	_ =	shalt  }
0x79: {  	_ =	shalt  }
0x7a: {  	_ =	shalt  }
0x7b: {  	_ =	shalt  }
0x7c: {  	_ =	shalt  }
0x7d: {  	_ =	shalt  }
0x7e: {  	_ =	shalt  }
0x7f: {  	_ =	shalt  }
0x80: {  	_ =	shalt  }
0x81: {  	_ =	shalt  }
0x82: {  	_ =	shalt  }
0x83: {  	_ =	shalt  }
0x84: {  	_ =	shalt  }
0x85: {  	_ =	shalt  }
0x86: {  	_ =	shalt  }
0x87: {  	_ =	shalt  }
.Lfunc_end0:
.L_simem_size_0:
called_computation_lowered:
.L_overlay_start_0:
0x88: {  	s2 =	sld [smem:$0x3FD9]  }
0x89: {  	s3 =	sld [smem:$0x3FFE];
	_ =	sdelay $0x1  }
0x8a: {  	s1 =	srdreg.scid  }
0x8b: {  	s0 =	sand.u32 $0x1, s1  }
0x8c: {  	s17 =	sshll.u32 s0, $0xA;
	s2 =	sadd.s32 s3, s2  }
0x8d: {  	s2 =	sadd.s32 s2, s17  }
0x8e: {  	[smem:$0x3FBE] =	sst s2  }
0x8f: {  	_ = 	snop  }
0x90: {  	s2 =	sld [smem:$0x3FC9]  }
0x91: {  	s18 =	sld [smem:$0x3FC8];
	(tm) =	ssettm $0x1  }
0x92: {  	s4 =	sld [smem:$0x3FFB];
	_ =	sdelay $0x3  }
0x93: {  	_ =	strace s4  }
0x94: {  	s4 =	sld [smem:$0x3FFC];
	_ =	sdelay $0x3  }
0x95: {  	_ =	strace s4  }
0x96: {  	s4 =	sld [smem:$0x3FFD];
	_ =	sdelay $0x3  }
0x97: {  	_ =	strace s4  }
0x98: {  	_ =	strace $0x8FFFFFFF  }
0x99: {  	s19 =	sld [smem:$0x3FDB];
	_ =	sdelay $0x1  }
0x9a: {  	s5 =	simm.s32 $_scs_section_size  }
0x9b: {  	s6 =	simm.s32 $_size__tile_overlayer_lowered;
	s7 =	simm.s32 $_tile_overlayer_lowered  }
0x9c: {  	s22 =	simm.s32 $0x1BFF;
	s21 =	sshll.u32 s7, $0x1;
	s4 =	sadd.s32 s5, s19  }
0x9d: {  	s8 =	simm.s32 $0x0;
	s20 =	sshll.u32 s6, $0x1;
	s6 =	sadd.s32 s21, s4  }
0x9e: {  	[timem:s8], [sflag:s22] =	dma.local [hbm:s6], s20  }
0x9f: {  	_ =	swait.ge [sflag:s22], s20  }
0xa0: {  	s5 =	ssub.s32 $0x0, s20;
	[sflag:s22] =	ssyncset.done $0x0  }
0xa1: {  	[sflag:s22] =	ssyncadd.s32 s5;
	_ =	sdelay $0x1  }
0xa2: {  	s23 =	simm.s32 $0x1B8B  }
0xa3: {  	_ =	swait.ge [sflag:s23], $0x1  }
0xa4: {  	[sflag:s23] =	ssyncset.done $0x0  }
0xa5: {  	s25 =	simm.s32 $0x1B8E;
	s24 =	sld [smem:$0x3FFE];
	[sflag:s23] =	ssyncadd.s32 $0xFFFFFFFF  }
0xa6: {  	s26 =	simm.s32 $execute0_lowered;
	[smem:$0x3FD2] =	sst s25  }
0xa7: {  	s6 =	sshll.u32 s26, $0x1;
	_ =	strace $0x80000046;
	[dreg:$0x1] =	wrdreg $0xFFFFFFFF  }
0xa8: {  	s28 =	simm.s32 $_size_execute0_lowered;
	s4 =	sadd.s32 s4, s6;
	[dreg:$0x0] =	wrdreg $0x0  }
0xa9: {  	s6 =	sshll.u32 s28, $0x1;
	[dreg:$0x2] =	wrdreg s4  }
0xaa: {  	[dreg:$0x3] =	wrdreg s6  }
0xab: {  	[dreg:$0x4] =	wrdreg $0xC0  }
0xac: {  	_ =	task [dreg:s8], $0x5FFFF  }
0xad: {  	[dreg:$0x1] =	wrdreg $0xFFFFFFFF  }
0xae: {  	[dreg:$0x0] =	wrdreg $0x60  }
0xaf: {  	[dreg:$0x2] =	wrdreg s24  }
0xb0: {  	[dreg:$0x3] =	wrdreg s2  }
0xb1: {  	[dreg:$0x4] =	wrdreg s18  }
0xb2: {  	[dreg:$0x5] =	wrdreg $0x9  }
0xb3: {  	_ =	task.clear_ibuf [dreg:s8], $0x6FFFF;
	_ =	strace $0x90000046  }
0xb4: {  	s29 =	simm.s32 $0x9;
	_ =	strace $0x80000048  }
0xb5: {  	_ =	swait.ge [sflag:s29], $0x1  }
0xb6: {  	[sflag:s29] =	ssyncadd.s32 $0xFFFFFFFF  }
0xb7: {  	_ =	strace $0x90000048  }
0xb8: {  	_ =	sfence  }
0xb9: {  	s30 =	sld [smem:$0x0];
	_ =	sdelay $0x2  }
0xba: {  	s31 =	sshll.u32 s1, $0xD;
	s1 =	sshrl.u32 s1, $0x2  }
0xbb: {  	s3 =	sand.u32 $0x4000, s31;
	s1 =	sadd.s32 s1, s30  }
0xbc: {  	s0 =	sor.u32 s3, s0;
	s1 =	sshll.u32 s1, $0x11  }
0xbd: {  	s0 =	sor.u32 s1, s0  }
0xbe: {  	s0 =	sadd.s32 $0x8F2B, s0  }
0xbf: {  	[sflag:s0] =	ssyncadd.remote.s32 $0x1  }
0xc0: {  	_ =	sfence.sel $0xFFFF  }
0xc1: {  	[dreg:$0x0] =	wrdreg $0xFFFFFFFF;
	(pc) =	sbr.abs _section_cstart, $3  }
0xc2: {  	[dreg:$0x1] =	wrdreg $0xFFFFFFFF  }
0xc3: {  	_ =	task.clear_ibuf [dreg:s8], $0x2FFFF;
	_ =	strace $0x9FFFFFFF  }
0xc4: {  	(tm) =	ssettm $0x7FFFFFFF  }
0xc5: {  	_ =	shalt  }
tec
execute0_lowered:
.L_overlay_start_1:
0x0: {  	(tag) =	ssettag $0x1  }
0x1: {  	s13 =	rddreg [dreg:$0x0];
	s1 =	srdreg.scid  }
0x2: {  	s3 =	rddreg [dreg:$0x1];
	s0 =	stileid.u32;
	s14 =	sand.u32 $0x1, s1  }
0x3: {  	s5 =	rddreg [dreg:$0x2];
	s4 =	sshll.u32 s0, $0xA;
	s6 =	sshll.u32 s14, $0x9  }
0x4: {  	s2 =	simm.s32 $0x0;
	s1 =	rddreg [dreg:$0x3];
	s15 =	sor.u32 s6, s4  }
0x5: {  	[smem:$0x7FF] =	sst s2;
	s6 =	sshrl.u32 s15, $0x3  }
0x6: {  	_ =	strace $0x80000047;
	s4 =	sadd.s32 s3, s6;
	s3 =	simm.s32 $0x3  }
0x7: {  	[tilespmem:s2], [sflag:$0x3] =	stream.linear.gather [hbm4b:s4+s2], $0x200, $0x38;
	[tilespmem:$0x4400] =	vst v63  }
0x8: {  	_ =	swait.ge [sflag:s3], $0x200  }
0x9: {  	[sflag:s3] =	ssyncset.done $0x0  }
0xa: {  	s5 =	sadd.s32 s5, s6;
	s6 =	simm.s32 $0x200;
	[sflag:s3] =	ssyncadd.s32 $0xFFFFFE00  }
0xb: {  	[tilespmem:s6], [sflag:$0x3] =	stream.linear.gather [hbm4b:s5+s2], $0x200, $0x38;
	[tilespmem:$0x4400] =	vst v63  }
0xc: {  	_ =	swait.ge [sflag:s3], $0x200  }
0xd: {  	[sflag:s3] =	ssyncset.done $0x0  }
0xe: {  	s8 =	simm.s32 $0x400;
	s7 =	sadd.s32 $0x188200, s13;
	[sflag:s3] =	ssyncadd.s32 $0xFFFFFE00  }
0xf: {  	[tilespmem:s8], [sflag:$0x1] =	stream.indirect.gather [hbm4b:s7+s6], $0x10, s2, s6, $0xb8;
	[tilespmem:$0x4400] =	vst v63  }
0x10: {  	s10 =	simm.s32 $0x2400;
	s11 =	simm.s32 $0x1;
	s9 =	sadd.s32 $0xF43C00, s13  }
0x11: {  	[tilespmem:s10], [sflag:$0x2] =	stream.indirect.gather [hbm4b:s9+s6], $0x10, s6, s6, $0xb8;
	[tilespmem:$0x4400] =	vst v63  }
0x12: {  	_ =	swait.ge [sflag:s11], $0x2000  }
0x13: {  	[sflag:s11] =	ssyncset.done $0x0  }
0x14: {  	s12 =	simm.s32 $0x2;
	s14 =	ssub.s32 $0x2, s14;
	[sflag:s11] =	ssyncadd.s32 $0xFFFFE000  }
0x15: {  	s16 =	sshrl.u32 s14, $0x1;
	s15 =	sshll.u32 s15, $0x1;
	_ =	swait.ge [sflag:s12], $0x2000  }
0x16: {  	s16 =	ssub.s32 s14, s16;
	s15 =	sadd.s32 s15, s13;
	[sflag:s12] =	ssyncset.done $0x0  }
0x17: {  	s31 =	smax.u32 s16, $0x1;
	s13 =	sadd.s32 $0x9800, s15;
	[sflag:s12] =	ssyncadd.s32 $0xFFFFE000  }
0x18: {  	[hbm4b:s13+s2] =	stream.linear.scatter [tilespmem:s8], [sflag:$0x3], $0x2000, $0x38;
	[tilespmem:$0x4400] =	vst v63  }
0x19: {  	p0 =	sne.s32 s31, $0x1;
	_ =	swait.ge [sflag:s3], $0x2000  }
.Ltmp0:
0x1a: {  	[sflag:s3] =	ssyncset.done $0x0;
	(pc) =	sbr.rel @!p0 .LBB2_2-.Ltmp0, $4  }
0x1b: {  	s14 =	sadd.s32 $0x1800, s15;
	[sflag:s3] =	ssyncadd.s32 $0xFFFFE000  }
0x1c: {  	[hbm4b:s14+s2] =	stream.linear.scatter [tilespmem:s10], [sflag:$0x3], $0x2000, $0x38;
	[tilespmem:$0x4400] =	vst v63  }
0x1d: {  	_ =	swait.ge [sflag:s3], $0x2000  }
0x1e: {  	s15 =	sadd.s32 $0xFFFFFFFF, s31;
	[sflag:s3] =	ssyncset.done $0x0  }
.LBB2_1:
0x1f: {  	p0 =	sne.s32 s15, $0x1;
	s15 =	sadd.s32 $0xFFFFFFFF, s15;
	[sflag:s3] =	ssyncadd.s32 $0xFFFFE000  }
0x20: {  	[tilespmem:s2], [sflag:$0x3] =	stream.linear.gather [hbm4b:s4+s2], $0x200, $0x38;
	[tilespmem:$0x4400] =	vst v63  }
0x21: {  	_ =	swait.ge [sflag:s3], $0x200  }
0x22: {  	[sflag:s3] =	ssyncset.done $0x0  }
0x23: {  	[sflag:s3] =	ssyncadd.s32 $0xFFFFFE00  }
0x24: {  	[tilespmem:s6], [sflag:$0x3] =	stream.linear.gather [hbm4b:s5+s2], $0x200, $0x38;
	[tilespmem:$0x4400] =	vst v63  }
0x25: {  	_ =	swait.ge [sflag:s3], $0x200  }
0x26: {  	[sflag:s3] =	ssyncset.done $0x0  }
0x27: {  	[sflag:s3] =	ssyncadd.s32 $0xFFFFFE00  }
0x28: {  	[tilespmem:s8], [sflag:$0x1] =	stream.indirect.gather [hbm4b:s7+s6], $0x10, s2, s6, $0xb8;
	[tilespmem:$0x4400] =	vst v63  }
0x29: {  	_ = 	snop  }
0x2a: {  	[tilespmem:s10], [sflag:$0x2] =	stream.indirect.gather [hbm4b:s9+s6], $0x10, s6, s6, $0xb8;
	[tilespmem:$0x4400] =	vst v63  }
0x2b: {  	_ =	swait.ge [sflag:s11], $0x2000  }
0x2c: {  	[sflag:s11] =	ssyncset.done $0x0  }
0x2d: {  	[sflag:s11] =	ssyncadd.s32 $0xFFFFE000  }
0x2e: {  	_ =	swait.ge [sflag:s12], $0x2000  }
0x2f: {  	[sflag:s12] =	ssyncset.done $0x0  }
0x30: {  	[sflag:s12] =	ssyncadd.s32 $0xFFFFE000  }
0x31: {  	[hbm4b:s13+s2] =	stream.linear.scatter [tilespmem:s8], [sflag:$0x3], $0x2000, $0x38;
	[tilespmem:$0x4400] =	vst v63  }
0x32: {  	_ =	swait.ge [sflag:s3], $0x2000  }
.Ltmp1:
0x33: {  	[sflag:s3] =	ssyncset.done $0x0;
	(pc) =	sbr.rel @p0 .LBB2_1-.Ltmp1, $4  }
0x34: {  	[sflag:s3] =	ssyncadd.s32 $0xFFFFE000  }
0x35: {  	[hbm4b:s14+s2] =	stream.linear.scatter [tilespmem:s10], [sflag:$0x3], $0x2000, $0x38;
	[tilespmem:$0x4400] =	vst v63  }
0x36: {  	_ =	swait.ge [sflag:s3], $0x2000  }
0x37: {  	[sflag:s3] =	ssyncset.done $0x0  }
.LBB2_2:
0x38: {  	[sflag:s3] =	ssyncadd.s32 $0xFFFFE000  }
0x39: {  	_ =	sfence.sel $0x180000  }
0x3a: {  	[bflag:$0x0] =	sbarrier.arrive $0xFFFF  }
0x3b: {  	p0 =	sne.s32 s0, $0x0;
	_ =	strace $0x90000047  }
0x3c: {  	s0 =	sadd.s32 @!p0 $0x100000, s1;
	[bflag:$0x2] =	sbarrier.arrive $0xFFFF  }
0x3d: {  	[sflag:s0] =	ssyncadd.tile.s32 @!p0 $0x1;
	_ =	shalt  }
.Lfunc_end2:
_tile_overlayer_lowered:
.L_overlay_start_2:
0x3e: {  	(tag) =	ssettag $0x2  }
0x3f: {  	s0 =	rddreg [dreg:$0x0];
	s2 =	stileid.u32  }
0x40: {  	s1 =	rddreg [dreg:$0x1];
	p0 =	sne.s32 s2, $0x0  }
0x41: {  	s3 =	rddreg [dreg:$0x2];
	[bflag:$0x3] =	sbarrier.arrive $0xFFFF;
	s2 =	simm.s32 @!p0 $0x1C03  }
0x42: {  	[timem:s3], [sflag:s2] =	dma.local @!p0 [hbm:s0], s1  }
0x43: {  	s0 =	simm.s32 @!p0 $0x3  }
0x44: {  	_ =	swait.ge @!p0 [sflag:s0], s1  }
0x45: {  	s1 =	ssub.s32 @!p0 $0x0, s1;
	[sflag:s0] =	ssyncset.done @!p0 $0x0  }
0x46: {  	[sflag:s0] =	ssyncadd.s32 @!p0 s1  }
0x47: {  	[bflag:$0x3] =	sbarrier.arrive $0xFFFF  }
0x48: {  	_ =	shalt  }

</sc_bundles>
